<compile_context>
chip_gen: v7x
topology: tpu7x:2x2x1
jax: 0.10.2.dev20260603
libtpu: 0.0.44.dev20260713+nightly
codegen_flags: <defaults>
</compile_context>

<pallas_src>
import functools

import jax
import jax.numpy as jnp
from jax import lax
from jax.experimental import pallas as pl
from jax.experimental.pallas import tpu as pltpu
from jax.experimental.pallas import tpu_sc as plsc

N = 32768
C = 512
NC = 2
NS = 16
NW = NC * NS
R = N // NW
L = 16
GCHUNK = 128
NG = R // GCHUNK


@functools.partial(
    pl.kernel,
    out_type=jax.ShapeDtypeStruct((N,), jnp.float32),
    mesh=plsc.VectorSubcoreMesh(core_axis_name="c", subcore_axis_name="s"),
    compiler_params=pltpu.CompilerParams(needs_layout_passes=False),
    scratch_types=[
        pltpu.VMEM((R,), jnp.int32),
        pltpu.VMEM((R,), jnp.int32),
        pltpu.VMEM((R,), jnp.float32),
        pltpu.SemaphoreType.DMA,
        pltpu.SemaphoreType.DMA,
    ],
)
def _sc_gather(table_hbm, chord_hbm, out_hbm, chord_v, idx_v, picked_v,
               sem, sem2):
    cid = lax.axis_index("c")
    sid = lax.axis_index("s")
    wid = sid * NC + cid
    base = wid * R

    H = R // 2
    chord_cp = [
        pltpu.async_copy(
            chord_hbm.at[pl.ds(base + h * H, H)],
            chord_v.at[pl.ds(h * H, H)], sem2)
        for h in range(2)
    ]

    iota = lax.iota(jnp.int32, L)
    lanes = ((iota >> 3) << 12) + ((iota & 7) << 7)

    def idx_body(t, _):
        off = pl.multiple_of(t * L, L)
        c = chord_v[pl.ds(off, L)]
        rb = (base + t * L) >> 3
        idx_v[pl.ds(off, L)] = (
            ((rb << 12) + lanes) + (((c >> 7) << 10) + (c & 127))
        )
        return 0

    gathers = []
    for h in range(2):
        chord_cp[h].wait()
        lax.fori_loop(h * (H // L), (h + 1) * (H // L), idx_body, 0, unroll=2)
        gathers.append(
            pltpu.async_copy(
                table_hbm.at[idx_v.at[pl.ds(h * H, H)]],
                picked_v.at[pl.ds(h * H, H)], sem))
    writes = []
    for h in range(2):
        gathers[h].wait()
        writes.append(
            pltpu.async_copy(
                picked_v.at[pl.ds(h * H, H)],
                out_hbm.at[pl.ds(base + h * H, H)], sem2))
    for w in writes:
        w.wait()


def _masked_mean_body(picked_ref, mask_ref, out_ref):
    p = picked_ref[...]
    m = mask_ref[...].astype(jnp.float32)
    s = jnp.sum(p * m)
    c = jnp.sum(m)
    out_ref[0, 0] = -s / c


_masked_mean = pl.pallas_call(
    _masked_mean_body,
    out_shape=jax.ShapeDtypeStruct((1, 1), jnp.float32),
    out_specs=pl.BlockSpec(memory_space=pltpu.SMEM),
)


def kernel(predict_chord, chord, mask):
    table = (
        predict_chord.reshape(N // 8, 8, C // 128, 128)
        .transpose(0, 2, 1, 3)
        .reshape(-1)
    )
    picked = _sc_gather(table, chord)
    loss = _masked_mean(picked.reshape(N // 128, 128),
                        mask.reshape(N // 128, 128))
    return loss[0, 0]

# --- scband reference (transcript-rebuilt; emitter-appended) ---
"""Pipeline reference for scband-my-loss-9792525434933 (READ-ONLY COPY).

The authoritative reference and input builder live on the scoring server;
editing this copy changes nothing except your own understanding.
"""

import jax, jax.numpy as jnp
import numpy as np


def setup_inputs(seed: int = 0) -> dict:
    key = jax.random.key(seed)
    k1, k2, k3 = jax.random.split(key, 3)
    N, C = 32768, 512
    predict_chord = jax.random.normal(k1, (N, C), dtype=jnp.float32)
    chord = jax.random.randint(k2, (N,), 0, C, dtype=jnp.int32)
    mask = jax.random.randint(k3, (N,), 0, 2, dtype=jnp.int32).astype(jnp.bool_)
    return {"predict_chord": predict_chord, "chord": chord, "mask": mask}


def reference(predict_chord, chord, mask):
    # F.nll_loss(predict_chord[mask], chord[mask]) with default mean reduction:
    # mean over masked elements of -predict_chord[i, chord[i]].
    # Implemented with a static-shape masked reduction (equivalent math).
    picked = jnp.take_along_axis(predict_chord, chord[:, None].astype(jnp.int32), axis=1)[:, 0]
    m = mask.astype(predict_chord.dtype)
    loss = -jnp.sum(picked * m) / jnp.sum(m)
    return loss

if __name__ == "__main__":
    import jax
    _d = setup_inputs()
    print(jax.jit(kernel)(*tuple(_d.values())))

</pallas_src>

<mosaic_0001>
#map = affine_map<(d0, d1) -> (0)>
module attributes {stable_mosaic.version = 14 : i64} {
  func.func @_sc_gather(%arg0: i32, %arg1: i32, %arg2: memref<16777216xf32, #tpu.memory_space<hbm>>, %arg3: memref<32768xi32, #tpu.memory_space<hbm>>, %arg4: memref<32768xf32, #tpu.memory_space<hbm>>, %arg5: memref<1024xi32, #tpu.memory_space<vmem>>, %arg6: memref<1024xi32, #tpu.memory_space<vmem>>, %arg7: memref<1024xf32, #tpu.memory_space<vmem>>, %arg8: memref<!tpu.dma_semaphore, #tpu.memory_space<semaphore_mem>>, %arg9: memref<!tpu.dma_semaphore, #tpu.memory_space<semaphore_mem>>) attributes {dimension_semantics = [#tpu.dimension_semantics<core_parallel>, #tpu.dimension_semantics<subcore_parallel>], iteration_bounds = array<i64: 2, 16>, scalar_prefetch = 0 : i64, scratch_operands = 5 : i64, tpu.core_type = #tpu.core_type<sc_vector_subcore>, window_params = [{transform_indices = #map}, {transform_indices = #map}, {transform_indices = #map}]} {
    %mul3A = arith.constant 2 : i32
    %mul3A_0 = arith.muli %arg1, %mul3A : i32
    %add3A = arith.addi %mul3A_0, %arg0 : i32
    %mul3A_1 = arith.constant 1024 : i32
    %mul3A_2 = arith.muli %add3A, %mul3A_1 : i32
    %add3A_3 = arith.constant 0 : i32
    %add3A_4 = arith.addi %mul3A_2, %add3A_3 : i32
    %dma_start3A = arith.constant 0 : i32
    %dma_start3A_5 = tpu.memref_slice %arg5[%dma_start3A] : memref<1024xi32, #tpu.memory_space<vmem>> -> memref<512xi32, #tpu.memory_space<vmem>>
    %dma_start3A_6 = tpu.memref_slice %arg3[%add3A_4] : memref<32768xi32, #tpu.memory_space<hbm>> -> memref<512xi32, #tpu.memory_space<hbm>>
    %dma_start3A_7 = arith.constant 0 : i32
    %dma_start3A_8 = tpu.memref_slice %arg5[%dma_start3A_7] : memref<1024xi32, #tpu.memory_space<vmem>> -> memref<512xi32, #tpu.memory_space<vmem>>
    %dma_start3A_9 = tpu.memref_slice %arg3[%add3A_4] : memref<32768xi32, #tpu.memory_space<hbm>> -> memref<512xi32, #tpu.memory_space<hbm>>
    tpu.enqueue_dma source(%dma_start3A_9 : memref<512xi32, #tpu.memory_space<hbm>>) target(%dma_start3A_8 : memref<512xi32, #tpu.memory_space<vmem>>) target_semaphore(%arg9 : memref<!tpu.dma_semaphore, #tpu.memory_space<semaphore_mem>>)
    %add3A_10 = arith.constant 512 : i32
    %add3A_11 = arith.addi %mul3A_2, %add3A_10 : i32
    %dma_start3A_12 = arith.constant 512 : i32
    %dma_start3A_13 = tpu.memref_slice %arg5[%dma_start3A_12] : memref<1024xi32, #tpu.memory_space<vmem>> -> memref<512xi32, #tpu.memory_space<vmem>>
    %dma_start3A_14 = tpu.memref_slice %arg3[%add3A_11] : memref<32768xi32, #tpu.memory_space<hbm>> -> memref<512xi32, #tpu.memory_space<hbm>>
    %dma_start3A_15 = arith.constant 512 : i32
    %dma_start3A_16 = tpu.memref_slice %arg5[%dma_start3A_15] : memref<1024xi32, #tpu.memory_space<vmem>> -> memref<512xi32, #tpu.memory_space<vmem>>
    %dma_start3A_17 = tpu.memref_slice %arg3[%add3A_11] : memref<32768xi32, #tpu.memory_space<hbm>> -> memref<512xi32, #tpu.memory_space<hbm>>
    tpu.enqueue_dma source(%dma_start3A_17 : memref<512xi32, #tpu.memory_space<hbm>>) target(%dma_start3A_16 : memref<512xi32, #tpu.memory_space<vmem>>) target_semaphore(%arg9 : memref<!tpu.dma_semaphore, #tpu.memory_space<semaphore_mem>>)
    %iota3A = tpu.iota {dimensions = array<i32: 0>} : vector<16xi32>
    %shift_right_arithmetic3A = arith.constant 3 : i32
    %shift_right_arithmetic3A_18 = vector.broadcast %shift_right_arithmetic3A : i32 to vector<16xi32>
    %shift_right_arithmetic3A_19 = arith.shrsi %iota3A, %shift_right_arithmetic3A_18 : vector<16xi32>
    %shift_left3A = arith.constant 12 : i32
    %shift_left3A_20 = vector.broadcast %shift_left3A : i32 to vector<16xi32>
    %shift_left3A_21 = arith.shli %shift_right_arithmetic3A_19, %shift_left3A_20 : vector<16xi32>
    %and3A = arith.constant 7 : i32
    %and3A_22 = vector.broadcast %and3A : i32 to vector<16xi32>
    %and3A_23 = arith.andi %iota3A, %and3A_22 : vector<16xi32>
    %shift_left3A_24 = arith.constant 7 : i32
    %shift_left3A_25 = vector.broadcast %shift_left3A_24 : i32 to vector<16xi32>
    %shift_left3A_26 = arith.shli %and3A_23, %shift_left3A_25 : vector<16xi32>
    %add3A_27 = arith.addi %shift_left3A_21, %shift_left3A_26 : vector<16xi32>
    %dma_wait3A = arith.constant 0 : i32
    %dma_wait3A_28 = tpu.memref_slice %arg5[%dma_wait3A] : memref<1024xi32, #tpu.memory_space<vmem>> -> memref<512xi32, #tpu.memory_space<vmem>>
    %dma_wait3A_29 = tpu.memref_slice %arg3[%add3A_4] : memref<32768xi32, #tpu.memory_space<hbm>> -> memref<512xi32, #tpu.memory_space<hbm>>
    %dma_wait3A_30 = arith.constant 0 : i32
    %dma_wait3A_31 = tpu.memref_slice %arg5[%dma_wait3A_30] : memref<1024xi32, #tpu.memory_space<vmem>> -> memref<512xi32, #tpu.memory_space<vmem>>
    %dma_wait3A_32 = tpu.memref_slice %arg3[%add3A_4] : memref<32768xi32, #tpu.memory_space<hbm>> -> memref<512xi32, #tpu.memory_space<hbm>>
    tpu.wait_dma2 semaphore(%arg9 : memref<!tpu.dma_semaphore, #tpu.memory_space<semaphore_mem>>) src(%dma_wait3A_32 : memref<512xi32, #tpu.memory_space<hbm>>) dst(%dma_wait3A_31 : memref<512xi32, #tpu.memory_space<vmem>>)
    %scan3A = arith.constant 0 : i32
    %scan3A_33 = arith.constant 0 : i32
    %scan3A_34 = arith.constant 32 : i32
    %scan3A_35 = arith.addi %scan3A_33, %scan3A_34 : i32
    %scan3A_36 = arith.constant 2 : i32
    %scan3A_37 = scf.for %scan3A_104 = %scan3A_33 to %scan3A_35 step %scan3A_36 iter_args(%scan3A_105 = %scan3A) -> (i32)  : i32 {
      %mul3A_106 = arith.constant 16 : i32
      %mul3A_107 = arith.muli %scan3A_104, %mul3A_106 : i32
      %multiple_of3A = tpu.assume_multiple %mul3A_107, 16 : i32
      %get3A = arith.index_cast %multiple_of3A : i32 to index
      %get3A_108 = tpu.vector_load %arg5[%get3A] {strides = array<i32>} : memref<1024xi32, #tpu.memory_space<vmem>>, vector<16xi32>,
      %mul3A_109 = arith.constant 16 : i32
      %mul3A_110 = arith.muli %scan3A_104, %mul3A_109 : i32
      %add3A_111 = arith.addi %mul3A_2, %mul3A_110 : i32
      %shift_right_arithmetic3A_112 = arith.constant 3 : i32
      %shift_right_arithmetic3A_113 = arith.shrsi %add3A_111, %shift_right_arithmetic3A_112 : i32
      %shift_left3A_114 = arith.constant 12 : i32
      %shift_left3A_115 = arith.shli %shift_right_arithmetic3A_113, %shift_left3A_114 : i32
      %add3A_116 = vector.broadcast %shift_left3A_115 : i32 to vector<16xi32>
      %add3A_117 = arith.addi %add3A_116, %add3A_27 : vector<16xi32>
      %shift_right_arithmetic3A_118 = arith.constant 7 : i32
      %shift_right_arithmetic3A_119 = vector.broadcast %shift_right_arithmetic3A_118 : i32 to vector<16xi32>
      %shift_right_arithmetic3A_120 = arith.shrsi %get3A_108, %shift_right_arithmetic3A_119 : vector<16xi32>
      %shift_left3A_121 = arith.constant 10 : i32
      %shift_left3A_122 = vector.broadcast %shift_left3A_121 : i32 to vector<16xi32>
      %shift_left3A_123 = arith.shli %shift_right_arithmetic3A_120, %shift_left3A_122 : vector<16xi32>
      %and3A_124 = arith.constant 127 : i32
      %and3A_125 = vector.broadcast %and3A_124 : i32 to vector<16xi32>
      %and3A_126 = arith.andi %get3A_108, %and3A_125 : vector<16xi32>
      %add3A_127 = arith.addi %shift_left3A_123, %and3A_126 : vector<16xi32>
      %add3A_128 = arith.addi %add3A_117, %add3A_127 : vector<16xi32>
      %swap3A = arith.index_cast %multiple_of3A : i32 to index
      %swap3A_129 = tpu.vector_load %arg6[%swap3A] {strides = array<i32>} : memref<1024xi32, #tpu.memory_space<vmem>>, vector<16xi32>,
      tpu.vector_store %arg6[%swap3A], %add3A_128 {strides = array<i32>} : memref<1024xi32, #tpu.memory_space<vmem>>, vector<16xi32>,
      %scan3A_130 = arith.constant 0 : i32
      %scan3A_131 = arith.constant 1 : i32
      %scan3A_132 = arith.addi %scan3A_104, %scan3A_131 : i32
      %mul3A_133 = arith.constant 16 : i32
      %mul3A_134 = arith.muli %scan3A_132, %mul3A_133 : i32
      %multiple_of3A_135 = tpu.assume_multiple %mul3A_134, 16 : i32
      %get3A_136 = arith.index_cast %multiple_of3A_135 : i32 to index
      %get3A_137 = tpu.vector_load %arg5[%get3A_136] {strides = array<i32>} : memref<1024xi32, #tpu.memory_space<vmem>>, vector<16xi32>,
      %mul3A_138 = arith.constant 16 : i32
      %mul3A_139 = arith.muli %scan3A_132, %mul3A_138 : i32
      %add3A_140 = arith.addi %mul3A_2, %mul3A_139 : i32
      %shift_right_arithmetic3A_141 = arith.constant 3 : i32
      %shift_right_arithmetic3A_142 = arith.shrsi %add3A_140, %shift_right_arithmetic3A_141 : i32
      %shift_left3A_143 = arith.constant 12 : i32
      %shift_left3A_144 = arith.shli %shift_right_arithmetic3A_142, %shift_left3A_143 : i32
      %add3A_145 = vector.broadcast %shift_left3A_144 : i32 to vector<16xi32>
      %add3A_146 = arith.addi %add3A_145, %add3A_27 : vector<16xi32>
      %shift_right_arithmetic3A_147 = arith.constant 7 : i32
      %shift_right_arithmetic3A_148 = vector.broadcast %shift_right_arithmetic3A_147 : i32 to vector<16xi32>
      %shift_right_arithmetic3A_149 = arith.shrsi %get3A_137, %shift_right_arithmetic3A_148 : vector<16xi32>
      %shift_left3A_150 = arith.constant 10 : i32
      %shift_left3A_151 = vector.broadcast %shift_left3A_150 : i32 to vector<16xi32>
      %shift_left3A_152 = arith.shli %shift_right_arithmetic3A_149, %shift_left3A_151 : vector<16xi32>
      %and3A_153 = arith.constant 127 : i32
      %and3A_154 = vector.broadcast %and3A_153 : i32 to vector<16xi32>
      %and3A_155 = arith.andi %get3A_137, %and3A_154 : vector<16xi32>
      %add3A_156 = arith.addi %shift_left3A_152, %and3A_155 : vector<16xi32>
      %add3A_157 = arith.addi %add3A_146, %add3A_156 : vector<16xi32>
      %swap3A_158 = arith.index_cast %multiple_of3A_135 : i32 to index
      %swap3A_159 = tpu.vector_load %arg6[%swap3A_158] {strides = array<i32>} : memref<1024xi32, #tpu.memory_space<vmem>>, vector<16xi32>,
      tpu.vector_store %arg6[%swap3A_158], %add3A_157 {strides = array<i32>} : memref<1024xi32, #tpu.memory_space<vmem>>, vector<16xi32>,
      %scan3A_160 = arith.constant 0 : i32
      scf.yield %scan3A_160 : i32
    }
    %scan3A_38 = arith.constant 32 : i32
    %dma_start3A_39 = arith.constant 0 : i32
    %dma_start3A_40 = tpu.memref_slice %arg7[%dma_start3A_39] : memref<1024xf32, #tpu.memory_space<vmem>> -> memref<512xf32, #tpu.memory_space<vmem>>
    %dma_start3A_41 = arith.constant 0 : i32
    %dma_start3A_42 = tpu.memref_slice %arg6[%dma_start3A_41] : memref<1024xi32, #tpu.memory_space<vmem>> -> memref<512xi32, #tpu.memory_space<vmem>>
    %dma_start3A_43 = arith.constant 0 : i32
    %dma_start3A_44 = tpu.memref_slice %arg2[%dma_start3A_43] : memref<16777216xf32, #tpu.memory_space<hbm>> -> memref<16777216xf32, #tpu.memory_space<hbm>>
    tpu.enqueue_indirect_dma source(%dma_start3A_44 : memref<16777216xf32, #tpu.memory_space<hbm>>) target(%dma_start3A_40 : memref<512xf32, #tpu.memory_space<vmem>>) offsets(%dma_start3A_42 : memref<512xi32, #tpu.memory_space<vmem>>) semaphore(%arg8 : memref<!tpu.dma_semaphore, #tpu.memory_space<semaphore_mem>>)
    %dma_wait3A_45 = arith.constant 512 : i32
    %dma_wait3A_46 = tpu.memref_slice %arg5[%dma_wait3A_45] : memref<1024xi32, #tpu.memory_space<vmem>> -> memref<512xi32, #tpu.memory_space<vmem>>
    %dma_wait3A_47 = tpu.memref_slice %arg3[%add3A_11] : memref<32768xi32, #tpu.memory_space<hbm>> -> memref<512xi32, #tpu.memory_space<hbm>>
    %dma_wait3A_48 = arith.constant 512 : i32
    %dma_wait3A_49 = tpu.memref_slice %arg5[%dma_wait3A_48] : memref<1024xi32, #tpu.memory_space<vmem>> -> memref<512xi32, #tpu.memory_space<vmem>>
    %dma_wait3A_50 = tpu.memref_slice %arg3[%add3A_11] : memref<32768xi32, #tpu.memory_space<hbm>> -> memref<512xi32, #tpu.memory_space<hbm>>
    tpu.wait_dma2 semaphore(%arg9 : memref<!tpu.dma_semaphore, #tpu.memory_space<semaphore_mem>>) src(%dma_wait3A_50 : memref<512xi32, #tpu.memory_space<hbm>>) dst(%dma_wait3A_49 : memref<512xi32, #tpu.memory_space<vmem>>)
    %scan3A_51 = arith.constant 0 : i32
    %scan3A_52 = arith.constant 32 : i32
    %scan3A_53 = arith.constant 32 : i32
    %scan3A_54 = arith.addi %scan3A_52, %scan3A_53 : i32
    %scan3A_55 = arith.constant 2 : i32
    %scan3A_56 = scf.for %scan3A_104 = %scan3A_52 to %scan3A_54 step %scan3A_55 iter_args(%scan3A_105 = %scan3A_51) -> (i32)  : i32 {
      %mul3A_106 = arith.constant 16 : i32
      %mul3A_107 = arith.muli %scan3A_104, %mul3A_106 : i32
      %multiple_of3A = tpu.assume_multiple %mul3A_107, 16 : i32
      %get3A = arith.index_cast %multiple_of3A : i32 to index
      %get3A_108 = tpu.vector_load %arg5[%get3A] {strides = array<i32>} : memref<1024xi32, #tpu.memory_space<vmem>>, vector<16xi32>,
      %mul3A_109 = arith.constant 16 : i32
      %mul3A_110 = arith.muli %scan3A_104, %mul3A_109 : i32
      %add3A_111 = arith.addi %mul3A_2, %mul3A_110 : i32
      %shift_right_arithmetic3A_112 = arith.constant 3 : i32
      %shift_right_arithmetic3A_113 = arith.shrsi %add3A_111, %shift_right_arithmetic3A_112 : i32
      %shift_left3A_114 = arith.constant 12 : i32
      %shift_left3A_115 = arith.shli %shift_right_arithmetic3A_113, %shift_left3A_114 : i32
      %add3A_116 = vector.broadcast %shift_left3A_115 : i32 to vector<16xi32>
      %add3A_117 = arith.addi %add3A_116, %add3A_27 : vector<16xi32>
      %shift_right_arithmetic3A_118 = arith.constant 7 : i32
      %shift_right_arithmetic3A_119 = vector.broadcast %shift_right_arithmetic3A_118 : i32 to vector<16xi32>
      %shift_right_arithmetic3A_120 = arith.shrsi %get3A_108, %shift_right_arithmetic3A_119 : vector<16xi32>
      %shift_left3A_121 = arith.constant 10 : i32
      %shift_left3A_122 = vector.broadcast %shift_left3A_121 : i32 to vector<16xi32>
      %shift_left3A_123 = arith.shli %shift_right_arithmetic3A_120, %shift_left3A_122 : vector<16xi32>
      %and3A_124 = arith.constant 127 : i32
      %and3A_125 = vector.broadcast %and3A_124 : i32 to vector<16xi32>
      %and3A_126 = arith.andi %get3A_108, %and3A_125 : vector<16xi32>
      %add3A_127 = arith.addi %shift_left3A_123, %and3A_126 : vector<16xi32>
      %add3A_128 = arith.addi %add3A_117, %add3A_127 : vector<16xi32>
      %swap3A = arith.index_cast %multiple_of3A : i32 to index
      %swap3A_129 = tpu.vector_load %arg6[%swap3A] {strides = array<i32>} : memref<1024xi32, #tpu.memory_space<vmem>>, vector<16xi32>,
      tpu.vector_store %arg6[%swap3A], %add3A_128 {strides = array<i32>} : memref<1024xi32, #tpu.memory_space<vmem>>, vector<16xi32>,
      %scan3A_130 = arith.constant 0 : i32
      %scan3A_131 = arith.constant 1 : i32
      %scan3A_132 = arith.addi %scan3A_104, %scan3A_131 : i32
      %mul3A_133 = arith.constant 16 : i32
      %mul3A_134 = arith.muli %scan3A_132, %mul3A_133 : i32
      %multiple_of3A_135 = tpu.assume_multiple %mul3A_134, 16 : i32
      %get3A_136 = arith.index_cast %multiple_of3A_135 : i32 to index
      %get3A_137 = tpu.vector_load %arg5[%get3A_136] {strides = array<i32>} : memref<1024xi32, #tpu.memory_space<vmem>>, vector<16xi32>,
      %mul3A_138 = arith.constant 16 : i32
      %mul3A_139 = arith.muli %scan3A_132, %mul3A_138 : i32
      %add3A_140 = arith.addi %mul3A_2, %mul3A_139 : i32
      %shift_right_arithmetic3A_141 = arith.constant 3 : i32
      %shift_right_arithmetic3A_142 = arith.shrsi %add3A_140, %shift_right_arithmetic3A_141 : i32
      %shift_left3A_143 = arith.constant 12 : i32
      %shift_left3A_144 = arith.shli %shift_right_arithmetic3A_142, %shift_left3A_143 : i32
      %add3A_145 = vector.broadcast %shift_left3A_144 : i32 to vector<16xi32>
      %add3A_146 = arith.addi %add3A_145, %add3A_27 : vector<16xi32>
      %shift_right_arithmetic3A_147 = arith.constant 7 : i32
      %shift_right_arithmetic3A_148 = vector.broadcast %shift_right_arithmetic3A_147 : i32 to vector<16xi32>
      %shift_right_arithmetic3A_149 = arith.shrsi %get3A_137, %shift_right_arithmetic3A_148 : vector<16xi32>
      %shift_left3A_150 = arith.constant 10 : i32
      %shift_left3A_151 = vector.broadcast %shift_left3A_150 : i32 to vector<16xi32>
      %shift_left3A_152 = arith.shli %shift_right_arithmetic3A_149, %shift_left3A_151 : vector<16xi32>
      %and3A_153 = arith.constant 127 : i32
      %and3A_154 = vector.broadcast %and3A_153 : i32 to vector<16xi32>
      %and3A_155 = arith.andi %get3A_137, %and3A_154 : vector<16xi32>
      %add3A_156 = arith.addi %shift_left3A_152, %and3A_155 : vector<16xi32>
      %add3A_157 = arith.addi %add3A_146, %add3A_156 : vector<16xi32>
      %swap3A_158 = arith.index_cast %multiple_of3A_135 : i32 to index
      %swap3A_159 = tpu.vector_load %arg6[%swap3A_158] {strides = array<i32>} : memref<1024xi32, #tpu.memory_space<vmem>>, vector<16xi32>,
      tpu.vector_store %arg6[%swap3A_158], %add3A_157 {strides = array<i32>} : memref<1024xi32, #tpu.memory_space<vmem>>, vector<16xi32>,
      %scan3A_160 = arith.constant 0 : i32
      scf.yield %scan3A_160 : i32
    }
    %scan3A_57 = arith.constant 32 : i32
    %dma_start3A_58 = arith.constant 512 : i32
    %dma_start3A_59 = tpu.memref_slice %arg7[%dma_start3A_58] : memref<1024xf32, #tpu.memory_space<vmem>> -> memref<512xf32, #tpu.memory_space<vmem>>
    %dma_start3A_60 = arith.constant 512 : i32
    %dma_start3A_61 = tpu.memref_slice %arg6[%dma_start3A_60] : memref<1024xi32, #tpu.memory_space<vmem>> -> memref<512xi32, #tpu.memory_space<vmem>>
    %dma_start3A_62 = arith.constant 0 : i32
    %dma_start3A_63 = tpu.memref_slice %arg2[%dma_start3A_62] : memref<16777216xf32, #tpu.memory_space<hbm>> -> memref<16777216xf32, #tpu.memory_space<hbm>>
    tpu.enqueue_indirect_dma source(%dma_start3A_63 : memref<16777216xf32, #tpu.memory_space<hbm>>) target(%dma_start3A_59 : memref<512xf32, #tpu.memory_space<vmem>>) offsets(%dma_start3A_61 : memref<512xi32, #tpu.memory_space<vmem>>) semaphore(%arg8 : memref<!tpu.dma_semaphore, #tpu.memory_space<semaphore_mem>>)
    %dma_wait3A_64 = arith.constant 0 : i32
    %dma_wait3A_65 = tpu.memref_slice %arg7[%dma_wait3A_64] : memref<1024xf32, #tpu.memory_space<vmem>> -> memref<512xf32, #tpu.memory_space<vmem>>
    %dma_wait3A_66 = arith.constant 0 : i32
    %dma_wait3A_67 = tpu.memref_slice %arg6[%dma_wait3A_66] : memref<1024xi32, #tpu.memory_space<vmem>> -> memref<512xi32, #tpu.memory_space<vmem>>
    %dma_wait3A_68 = arith.constant 0 : i32
    %dma_wait3A_69 = tpu.memref_slice %arg2[%dma_wait3A_68] : memref<16777216xf32, #tpu.memory_space<hbm>> -> memref<16777216xf32, #tpu.memory_space<hbm>>
    tpu.wait_indirect_dma semaphore(%arg8 : memref<!tpu.dma_semaphore, #tpu.memory_space<semaphore_mem>>) src(%dma_wait3A_69 : memref<16777216xf32, #tpu.memory_space<hbm>>) dst(%dma_wait3A_65 : memref<512xf32, #tpu.memory_space<vmem>>)
    %add3A_70 = arith.constant 0 : i32
    %add3A_71 = arith.addi %mul3A_2, %add3A_70 : i32
    %dma_start3A_72 = arith.constant 0 : i32
    %dma_start3A_73 = tpu.memref_slice %arg7[%dma_start3A_72] : memref<1024xf32, #tpu.memory_space<vmem>> -> memref<512xf32, #tpu.memory_space<vmem>>
    %dma_start3A_74 = tpu.memref_slice %arg4[%add3A_71] : memref<32768xf32, #tpu.memory_space<hbm>> -> memref<512xf32, #tpu.memory_space<hbm>>
    %dma_start3A_75 = tpu.memref_slice %arg4[%add3A_71] : memref<32768xf32, #tpu.memory_space<hbm>> -> memref<512xf32, #tpu.memory_space<hbm>>
    %dma_start3A_76 = arith.constant 0 : i32
    %dma_start3A_77 = tpu.memref_slice %arg7[%dma_start3A_76] : memref<1024xf32, #tpu.memory_space<vmem>> -> memref<512xf32, #tpu.memory_space<vmem>>
    tpu.enqueue_dma source(%dma_start3A_77 : memref<512xf32, #tpu.memory_space<vmem>>) target(%dma_start3A_75 : memref<512xf32, #tpu.memory_space<hbm>>) target_semaphore(%arg9 : memref<!tpu.dma_semaphore, #tpu.memory_space<semaphore_mem>>)
    %dma_wait3A_78 = arith.constant 512 : i32
    %dma_wait3A_79 = tpu.memref_slice %arg7[%dma_wait3A_78] : memref<1024xf32, #tpu.memory_space<vmem>> -> memref<512xf32, #tpu.memory_space<vmem>>
    %dma_wait3A_80 = arith.constant 512 : i32
    %dma_wait3A_81 = tpu.memref_slice %arg6[%dma_wait3A_80] : memref<1024xi32, #tpu.memory_space<vmem>> -> memref<512xi32, #tpu.memory_space<vmem>>
    %dma_wait3A_82 = arith.constant 0 : i32
    %dma_wait3A_83 = tpu.memref_slice %arg2[%dma_wait3A_82] : memref<16777216xf32, #tpu.memory_space<hbm>> -> memref<16777216xf32, #tpu.memory_space<hbm>>
    tpu.wait_indirect_dma semaphore(%arg8 : memref<!tpu.dma_semaphore, #tpu.memory_space<semaphore_mem>>) src(%dma_wait3A_83 : memref<16777216xf32, #tpu.memory_space<hbm>>) dst(%dma_wait3A_79 : memref<512xf32, #tpu.memory_space<vmem>>)
    %add3A_84 = arith.constant 512 : i32
    %add3A_85 = arith.addi %mul3A_2, %add3A_84 : i32
    %dma_start3A_86 = arith.constant 512 : i32
    %dma_start3A_87 = tpu.memref_slice %arg7[%dma_start3A_86] : memref<1024xf32, #tpu.memory_space<vmem>> -> memref<512xf32, #tpu.memory_space<vmem>>
    %dma_start3A_88 = tpu.memref_slice %arg4[%add3A_85] : memref<32768xf32, #tpu.memory_space<hbm>> -> memref<512xf32, #tpu.memory_space<hbm>>
    %dma_start3A_89 = tpu.memref_slice %arg4[%add3A_85] : memref<32768xf32, #tpu.memory_space<hbm>> -> memref<512xf32, #tpu.memory_space<hbm>>
    %dma_start3A_90 = arith.constant 512 : i32
    %dma_start3A_91 = tpu.memref_slice %arg7[%dma_start3A_90] : memref<1024xf32, #tpu.memory_space<vmem>> -> memref<512xf32, #tpu.memory_space<vmem>>
    tpu.enqueue_dma source(%dma_start3A_91 : memref<512xf32, #tpu.memory_space<vmem>>) target(%dma_start3A_89 : memref<512xf32, #tpu.memory_space<hbm>>) target_semaphore(%arg9 : memref<!tpu.dma_semaphore, #tpu.memory_space<semaphore_mem>>)
    %dma_wait3A_92 = arith.constant 0 : i32
    %dma_wait3A_93 = tpu.memref_slice %arg7[%dma_wait3A_92] : memref<1024xf32, #tpu.memory_space<vmem>> -> memref<512xf32, #tpu.memory_space<vmem>>
    %dma_wait3A_94 = tpu.memref_slice %arg4[%add3A_71] : memref<32768xf32, #tpu.memory_space<hbm>> -> memref<512xf32, #tpu.memory_space<hbm>>
    %dma_wait3A_95 = tpu.memref_slice %arg4[%add3A_71] : memref<32768xf32, #tpu.memory_space<hbm>> -> memref<512xf32, #tpu.memory_space<hbm>>
    %dma_wait3A_96 = arith.constant 0 : i32
    %dma_wait3A_97 = tpu.memref_slice %arg7[%dma_wait3A_96] : memref<1024xf32, #tpu.memory_space<vmem>> -> memref<512xf32, #tpu.memory_space<vmem>>
    tpu.wait_dma2 semaphore(%arg9 : memref<!tpu.dma_semaphore, #tpu.memory_space<semaphore_mem>>) src(%dma_wait3A_97 : memref<512xf32, #tpu.memory_space<vmem>>) dst(%dma_wait3A_95 : memref<512xf32, #tpu.memory_space<hbm>>)
    %dma_wait3A_98 = arith.constant 512 : i32
    %dma_wait3A_99 = tpu.memref_slice %arg7[%dma_wait3A_98] : memref<1024xf32, #tpu.memory_space<vmem>> -> memref<512xf32, #tpu.memory_space<vmem>>
    %dma_wait3A_100 = tpu.memref_slice %arg4[%add3A_85] : memref<32768xf32, #tpu.memory_space<hbm>> -> memref<512xf32, #tpu.memory_space<hbm>>
    %dma_wait3A_101 = tpu.memref_slice %arg4[%add3A_85] : memref<32768xf32, #tpu.memory_space<hbm>> -> memref<512xf32, #tpu.memory_space<hbm>>
    %dma_wait3A_102 = arith.constant 512 : i32
    %dma_wait3A_103 = tpu.memref_slice %arg7[%dma_wait3A_102] : memref<1024xf32, #tpu.memory_space<vmem>> -> memref<512xf32, #tpu.memory_space<vmem>>
    tpu.wait_dma2 semaphore(%arg9 : memref<!tpu.dma_semaphore, #tpu.memory_space<semaphore_mem>>) src(%dma_wait3A_103 : memref<512xf32, #tpu.memory_space<vmem>>) dst(%dma_wait3A_101 : memref<512xf32, #tpu.memory_space<hbm>>)
    return
  }
}

module attributes {stable_mosaic.version = 14 : i64} {
  func.func @_masked_mean_body(%arg0: memref<256x128xf32, #tpu.memory_space<vmem>>, %arg1: memref<256x128xi32, #tpu.memory_space<vmem>>, %arg2: memref<1x1xf32, #tpu.memory_space<smem>>) attributes {dimension_semantics = [], scalar_prefetch = 0 : i64, scratch_operands = 0 : i64, tpu.core_type = #tpu.core_type<tc>} {
    %get3A = arith.constant 0 : index
    %get3A_0 = arith.constant 0 : index
    %get3A_1 = vector.load %arg0[%get3A, %get3A_0] : memref<256x128xf32, #tpu.memory_space<vmem>>, vector<256x128xf32>
    %get3A_2 = arith.constant 0 : index
    %get3A_3 = arith.constant 0 : index
    %get3A_4 = vector.load %arg1[%get3A_2, %get3A_3] : memref<256x128xi32, #tpu.memory_space<vmem>>, vector<256x128xi32>
    %get3A_5 = arith.constant dense<0> : vector<256x128xi32>
    %get3A_6 = arith.cmpi ne, %get3A_4, %get3A_5 : vector<256x128xi32>
    %convert_element_type3A = arith.extui %get3A_6 : vector<256x128xi1> to vector<256x128xi32>
    %convert_element_type3A_7 = arith.sitofp %convert_element_type3A : vector<256x128xi32> to vector<256x128xf32>
    %mul3A = arith.mulf %get3A_1, %convert_element_type3A_7 : vector<256x128xf32>
    %reduce_sum3A = vector.shape_cast %mul3A : vector<256x128xf32> to vector<1x256x128xf32>
    %reduce_sum3A_8 = arith.constant dense<0.000000e+00> : vector<1xf32>
    %reduce_sum3A_9 = vector.multi_reduction <add>, %reduce_sum3A, %reduce_sum3A_8 [1, 2] : vector<1x256x128xf32> to vector<1xf32>
    %reduce_sum3A_10 = vector.shape_cast %reduce_sum3A_9 : vector<1xf32> to vector<1x1x1xf32>
    %reduce_sum3A_11 = vector.extract %reduce_sum3A_10[0, 0, 0] : f32 from vector<1x1x1xf32>
    %reduce_sum3A_12 = vector.shape_cast %convert_element_type3A_7 : vector<256x128xf32> to vector<1x256x128xf32>
    %reduce_sum3A_13 = arith.constant dense<0.000000e+00> : vector<1xf32>
    %reduce_sum3A_14 = vector.multi_reduction <add>, %reduce_sum3A_12, %reduce_sum3A_13 [1, 2] : vector<1x256x128xf32> to vector<1xf32>
    %reduce_sum3A_15 = vector.shape_cast %reduce_sum3A_14 : vector<1xf32> to vector<1x1x1xf32>
    %reduce_sum3A_16 = vector.extract %reduce_sum3A_15[0, 0, 0] : f32 from vector<1x1x1xf32>
    %neg3A = arith.constant 0.000000e+00 : f32
    %neg3A_17 = arith.subf %neg3A, %reduce_sum3A_11 : f32
    %div3A = arith.divf %neg3A_17, %reduce_sum3A_16 : f32
    %swap3A = arith.constant 0 : index
    %swap3A_18 = arith.constant 0 : index
    %swap3A_19 = memref.load %arg2[%swap3A, %swap3A_18] : memref<1x1xf32, #tpu.memory_space<smem>>
    memref.store %div3A, %arg2[%swap3A, %swap3A_18] : memref<1x1xf32, #tpu.memory_space<smem>>
    return
  }
}

</mosaic_0001>

<sc_bundles>
// kernel: kernel.4.cloned.1.call-start
scs
__scs_entry_jumppad:
0x0: {  	(pc) =	sbr.rel $0x88, $3  }
0x1: {  	(tag) =	ssettag $0x0;
	lr =	simm.s32 $0x1  }
0x2: {  	[smem:$0x3F9E] =	sst lr;
	_ =	strace $0xD0000000  }
0x3: {  	_ = 	snop  }
0x4: {  	_ = 	snop  }
0x5: {  	_ = 	snop  }
0x6: {  	_ = 	snop  }
0x7: {  	_ = 	snop  }
__scs_overlays_trampoline_lowered:
0x8: {  	[smem:$0x3FAD] =	sst s0  }
0x9: {  	[smem:$0x3FAE] =	sst s1  }
0xa: {  	[smem:$0x3FAF] =	sst s2  }
0xb: {  	[smem:$0x3FB0] =	sst s3  }
0xc: {  	[smem:$0x3FB1] =	sst s4  }
0xd: {  	[smem:$0x3FB2] =	sst s5  }
0xe: {  	[smem:$0x3FB3] =	sst s6  }
0xf: {  	[smem:$0x3FB4] =	sst s7  }
0x10: {  	[smem:$0x3FB5] =	sst s8  }
0x11: {  	[smem:$0x3FB6] =	sst s9;
	s0 =	simm.s32 @!p0 $0x0  }
0x12: {  	s1 =	sld [smem:$0x3F9C];
	s0 =	simm.s32 @p0 $0x1  }
0x13: {  	[smem:$0x3FB7] =	sst s0;
	s0 =	simm.s32 @!p1 $0x0  }
0x14: {  	s2 =	sld [smem:$0x3F9B];
	s0 =	simm.s32 @p1 $0x1  }
0x15: {  	[smem:$0x3FB8] =	sst s0;
	s0 =	simm.s32 @!p2 $0x0  }
0x16: {  	s3 =	sld [smem:$0x3FDB];
	s0 =	simm.s32 @p2 $0x1  }
0x17: {  	s4 =	simm.s32 $0x1BF5;
	[smem:$0x3FBA] =	sst s0  }
0x18: {  	s0 =	sld [smem:$0x3F9D];
	_ =	swait.ge [sflag:s4], $0x0  }
0x19: {  	s7 =	sld [smem:$0x3F9E]  }
0x1a: {  	s8 =	sadd.s32 $0xFFFFE003, lr  }
0x1b: {  	s9 =	sadd.s32 $0xFFFFFEF7, lr;
	s5 =	simm.s32 $0xFFFFFFFF;
	p2 =	slt.u32 s8, $0xFFFFF086  }
0x1c: {  	p1 =	slt.u32 s9, $0xF7A;
	s5 =	simm.s32 @!p2 $0x0  }
0x1d: {  	s5 =	simm.s32 @p1 $0x1;
	p0 =	seq.s32 s7, s2  }
0x1e: {  	s7 =	smul.u32 @!p0 $0xF7A, s2;
	p2 =	seq.s32 @!p0 s5, $0x0  }
0x1f: {  	s9 =	smul.u32 $0xF7A, s1;
	s8 =	simm.s32 @!p0 $0x1BF5;
	p2 =	por !p2, p0  }
0x20: {  	[sflag:s8] =	ssyncset.s32 @!p0 $0xFFFFF086;
	s6 =	sadd.s32 @!p0 s3, s7;
	s7 =	simm.s32 @!p0 $0x108  }
0x21: {  	s3 =	sadd.s32 s3, s9;
	s6 =	sadd.s32 @!p0 $0x88, s6;
	s7 =	simm.s32 @p2 $0x1082  }
0x22: {  	[simem:s7], [sflag:s8] =	dma.local @!p0 [hbm:s6], $0xF7A  }
0x23: {  	s9 =	sor.u32 $0xD0000000, s2;
	s6 =	simm.s32 $0x108;
	_ =	swait.ge @!p0 [sflag:s8], $0x0  }
0x24: {  	s3 =	sadd.s32 $0x88, s3;
	s6 =	simm.s32 @!p1 $0x1082;
	[sflag:s4] =	ssyncset.s32 $0xFFFFF086  }
0x25: {  	[simem:s6], [sflag:s4] =	dma.local [hbm:s3], $0xF7A  }
0x26: {  	[smem:$0x3F9E] =	sst s1;
	(tag) =	ssettag s2;
	_ =	strace s9  }
0x27: {  	s1 =	sld [smem:$0x3FAE]  }
0x28: {  	s2 =	sld [smem:$0x3FAF]  }
0x29: {  	s4 =	sld [smem:$0x3FB1]  }
0x2a: {  	p0 =	seq.s32 s5, $0x0;
	s5 =	sld [smem:$0x3FB2]  }
0x2b: {  	s6 =	sld [smem:$0x3FB3]  }
0x2c: {  	s7 =	sld [smem:$0x3FB4]  }
0x2d: {  	s3 =	simm.s32 $0x108;
	s8 =	sld [smem:$0x3FB5]  }
0x2e: {  	s3 =	simm.s32 @!p0 $0x1082;
	s9 =	sld [smem:$0x3FB6]  }
0x2f: {  	lr =	sadd.s32 s0, s3;
	s0 =	sld [smem:$0x3FAD]  }
0x30: {  	s3 =	sld [smem:$0x3FB0]  }
0x31: {  	[smem:$0x3FB9] =	sst s10  }
0x32: {  	s10 =	sld [smem:$0x3FB7];
	_ =	sdelay $0x3  }
0x33: {  	p0 =	seq.s32 s10, $0x1;
	s10 =	sld [smem:$0x3FB9];
	_ =	sdelay $0x3  }
0x34: {  	[smem:$0x3FB9] =	sst s10  }
0x35: {  	s10 =	sld [smem:$0x3FB8];
	_ =	sdelay $0x3  }
0x36: {  	p1 =	seq.s32 s10, $0x1;
	s10 =	sld [smem:$0x3FB9];
	_ =	sdelay $0x3  }
0x37: {  	[smem:$0x3FB9] =	sst s10  }
0x38: {  	s10 =	sld [smem:$0x3FBA]  }
0x39: {  	_ = 	snop;
	(pc) =	sbr.ind lr, $3  }
0x3a: {  	_ = 	snop  }
0x3b: {  	_ = 	snop  }
0x3c: {  	p2 =	seq.s32 s10, $0x1;
	s10 =	sld [smem:$0x3FB9]  }
0x3d: {  	_ =	shalt  }
0x3e: {  	_ =	shalt  }
0x3f: {  	_ =	shalt  }
0x40: {  	_ =	shalt  }
0x41: {  	_ =	shalt  }
0x42: {  	_ =	shalt  }
0x43: {  	_ =	shalt  }
0x44: {  	_ =	shalt  }
0x45: {  	_ =	shalt  }
0x46: {  	_ =	shalt  }
0x47: {  	_ =	shalt  }
0x48: {  	_ =	shalt  }
0x49: {  	_ =	shalt  }
0x4a: {  	_ =	shalt  }
0x4b: {  	_ =	shalt  }
0x4c: {  	_ =	shalt  }
0x4d: {  	_ =	shalt  }
0x4e: {  	_ =	shalt  }
0x4f: {  	_ =	shalt  }
0x50: {  	_ =	shalt  }
0x51: {  	_ =	shalt  }
0x52: {  	_ =	shalt  }
0x53: {  	_ =	shalt  }
0x54: {  	_ =	shalt  }
0x55: {  	_ =	shalt  }
0x56: {  	_ =	shalt  }
0x57: {  	_ =	shalt  }
0x58: {  	_ =	shalt  }
0x59: {  	_ =	shalt  }
0x5a: {  	_ =	shalt  }
0x5b: {  	_ =	shalt  }
0x5c: {  	_ =	shalt  }
0x5d: {  	_ =	shalt  }
0x5e: {  	_ =	shalt  }
0x5f: {  	_ =	shalt  }
0x60: {  	_ =	shalt  }
0x61: {  	_ =	shalt  }
0x62: {  	_ =	shalt  }
0x63: {  	_ =	shalt  }
0x64: {  	_ =	shalt  }
0x65: {  	_ =	shalt  }
0x66: {  	_ =	shalt  }
0x67: {  	_ =	shalt  }
0x68: {  	_ =	shalt  }
0x69: {  	_ =	shalt  }
0x6a: {  	_ =	shalt  }
0x6b: {  	_ =	shalt  }
0x6c: {  	_ =	shalt  }
0x6d: {  	_ =	shalt  }
0x6e: {  	_ =	shalt  }
0x6f: {  	_ =	shalt  }
0x70: {  	_ =	shalt  }
0x71: {  	_ =	shalt  }
0x72: {  	_ =	shalt  }
0x73: {  	_ =	shalt  }
0x74: {  	_ =	shalt  }
0x75: {  	_ =	shalt  }
0x76: {  	_ =	shalt  }
0x77: {  	_ =	shalt  }
0x78: {  	_ =	shalt  }
0x79: {  	_ =	shalt  }
0x7a: {  	_ =	shalt  }
0x7b: {  	_ =	shalt  }
0x7c: {  	_ =	shalt  }
0x7d: {  	_ =	shalt  }
0x7e: {  	_ =	shalt  }
0x7f: {  	_ =	shalt  }
0x80: {  	_ =	shalt  }
0x81: {  	_ =	shalt  }
0x82: {  	_ =	shalt  }
0x83: {  	_ =	shalt  }
0x84: {  	_ =	shalt  }
0x85: {  	_ =	shalt  }
0x86: {  	_ =	shalt  }
0x87: {  	_ =	shalt  }
.Lfunc_end0:
.L_simem_size_0:
called_computation_lowered:
.L_overlay_start_0:
0x88: {  	s2 =	sld [smem:$0x3FD9]  }
0x89: {  	s3 =	sld [smem:$0x3FFE];
	_ =	sdelay $0x1  }
0x8a: {  	s1 =	srdreg.scid  }
0x8b: {  	s0 =	sand.u32 $0x1, s1  }
0x8c: {  	s17 =	sshll.u32 s0, $0xA;
	s2 =	sadd.s32 s3, s2  }
0x8d: {  	s2 =	sadd.s32 s2, s17  }
0x8e: {  	[smem:$0x3FC5] =	sst s2  }
0x8f: {  	_ = 	snop  }
0x90: {  	s2 =	sld [smem:$0x3FC9]  }
0x91: {  	s18 =	sld [smem:$0x3FC8];
	(tm) =	ssettm $0x1  }
0x92: {  	s4 =	sld [smem:$0x3FFB];
	_ =	sdelay $0x3  }
0x93: {  	_ =	strace s4  }
0x94: {  	s4 =	sld [smem:$0x3FFC];
	_ =	sdelay $0x3  }
0x95: {  	_ =	strace s4  }
0x96: {  	s4 =	sld [smem:$0x3FFD];
	_ =	sdelay $0x3  }
0x97: {  	_ =	strace s4  }
0x98: {  	_ =	strace $0x8FFFFFFF  }
0x99: {  	s19 =	sld [smem:$0x3FDB];
	_ =	sdelay $0x1  }
0x9a: {  	s5 =	simm.s32 $_scs_section_size  }
0x9b: {  	s6 =	simm.s32 $_size__tile_overlayer_lowered;
	s7 =	simm.s32 $_tile_overlayer_lowered  }
0x9c: {  	s22 =	simm.s32 $0x1BFF;
	s21 =	sshll.u32 s7, $0x1;
	s4 =	sadd.s32 s5, s19  }
0x9d: {  	s8 =	simm.s32 $0x0;
	s20 =	sshll.u32 s6, $0x1;
	s6 =	sadd.s32 s21, s4  }
0x9e: {  	[timem:s8], [sflag:s22] =	dma.local [hbm:s6], s20  }
0x9f: {  	_ =	swait.ge [sflag:s22], s20  }
0xa0: {  	s5 =	ssub.s32 $0x0, s20;
	[sflag:s22] =	ssyncset.done $0x0  }
0xa1: {  	[sflag:s22] =	ssyncadd.s32 s5;
	_ =	sdelay $0x1  }
0xa2: {  	s23 =	simm.s32 $0x1B8B  }
0xa3: {  	_ =	swait.ge [sflag:s23], $0x1  }
0xa4: {  	[sflag:s23] =	ssyncset.done $0x0  }
0xa5: {  	s25 =	simm.s32 $0x1B8E;
	s24 =	sld [smem:$0x3FFE];
	[sflag:s23] =	ssyncadd.s32 $0xFFFFFFFF  }
0xa6: {  	s26 =	simm.s32 $execute0_lowered;
	[smem:$0x3FD2] =	sst s25  }
0xa7: {  	s6 =	sshll.u32 s26, $0x1;
	_ =	strace $0x80000046;
	[dreg:$0x1] =	wrdreg $0xFFFFFFFF  }
0xa8: {  	s28 =	simm.s32 $_size_execute0_lowered;
	s4 =	sadd.s32 s4, s6;
	[dreg:$0x0] =	wrdreg $0x0  }
0xa9: {  	s6 =	sshll.u32 s28, $0x1;
	[dreg:$0x2] =	wrdreg s4  }
0xaa: {  	[dreg:$0x3] =	wrdreg s6  }
0xab: {  	[dreg:$0x4] =	wrdreg $0xC0  }
0xac: {  	_ =	task [dreg:s8], $0x5FFFF  }
0xad: {  	[dreg:$0x1] =	wrdreg $0xFFFFFFFF  }
0xae: {  	[dreg:$0x0] =	wrdreg $0x60  }
0xaf: {  	[dreg:$0x2] =	wrdreg s2  }
0xb0: {  	[dreg:$0x3] =	wrdreg s18  }
0xb1: {  	[dreg:$0x4] =	wrdreg s24  }
0xb2: {  	[dreg:$0x5] =	wrdreg $0x9  }
0xb3: {  	_ =	task.clear_ibuf [dreg:s8], $0x6FFFF;
	_ =	strace $0x90000046  }
0xb4: {  	s29 =	simm.s32 $0x9;
	_ =	strace $0x80000048  }
0xb5: {  	_ =	swait.ge [sflag:s29], $0x1  }
0xb6: {  	[sflag:s29] =	ssyncadd.s32 $0xFFFFFFFF  }
0xb7: {  	_ =	strace $0x90000048  }
0xb8: {  	_ =	sfence  }
0xb9: {  	s30 =	sld [smem:$0x0];
	_ =	sdelay $0x2  }
0xba: {  	s31 =	sshll.u32 s1, $0xD;
	s1 =	sshrl.u32 s1, $0x2  }
0xbb: {  	s3 =	sand.u32 $0x4000, s31;
	s1 =	sadd.s32 s1, s30  }
0xbc: {  	s0 =	sor.u32 s3, s0;
	s1 =	sshll.u32 s1, $0x11  }
0xbd: {  	s0 =	sor.u32 s1, s0  }
0xbe: {  	s0 =	sadd.s32 $0x8F2B, s0  }
0xbf: {  	[sflag:s0] =	ssyncadd.remote.s32 $0x1  }
0xc0: {  	_ =	sfence.sel $0xFFFF  }
0xc1: {  	[dreg:$0x0] =	wrdreg $0xFFFFFFFF;
	(pc) =	sbr.abs _section_cstart, $3  }
0xc2: {  	[dreg:$0x1] =	wrdreg $0xFFFFFFFF  }
0xc3: {  	_ =	task.clear_ibuf [dreg:s8], $0x2FFFF;
	_ =	strace $0x9FFFFFFF  }
0xc4: {  	(tm) =	ssettm $0x7FFFFFFF  }
0xc5: {  	_ =	shalt  }
tec
execute0_lowered:
.L_overlay_start_1:
0x0: {  	(tag) =	ssettag $0x1  }
0x1: {  	v0 =	vimm.s32 $0x1380;
	vm0 =	vcmask $0x300  }
0x2: {  	vm14 =	vcmask $0x704;
	v0 =	vsel vm0, $0x0, v0  }
0x3: {  	s0 =	rddreg [dreg:$0x0];
	vm15 =	vcmask $0xB08;
	v0 =	vsel vm14, $0x80, v0  }
0x4: {  	s5 =	rddreg [dreg:$0x1];
	vm4 =	vcmask $0xF0C;
	v0 =	vsel vm15, $0x100, v0  }
0x5: {  	s4 =	rddreg [dreg:$0x2];
	vm5 =	vcmask $0x1310;
	v0 =	vsel vm4, $0x180, v0  }
0x6: {  	s1 =	rddreg [dreg:$0x3];
	s6 =	srdreg.scid;
	vm6 =	vcmask $0x1714;
	v0 =	vsel vm5, $0x200, v0  }
0x7: {  	s3 =	simm.s32 $0x0;
	s2 =	stileid.u32;
	vm7 =	vcmask $0x1B18;
	s11 =	simm.s32 $0x2;
	v0 =	vsel vm6, $0x280, v0  }
0x8: {  	vm8 =	vcmask $0x1F1C;
	s12 =	simm.s32 $0x400;
	s13 =	simm.s32 $0x800;
	s14 =	simm.s32 $0x600;
	v0 =	vsel vm7, $0x300, v0  }
0x9: {  	vm9 =	vcmask $0x2320;
	s15 =	simm.s32 $0xA00;
	s16 =	simm.s32 $0x1;
	s17 =	simm.s32 $0x0;
	v0 =	vsel vm8, $0x380, v0  }
0xa: {  	vm10 =	vcmask $0x2724;
	s9 =	sand.u32 $0x1, s6;
	[smem:$0x7FF] =	sst s3;
	s28 =	sshll.u32 s2, $0xB;
	v0 =	vsel vm9, $0x1000, v0  }
0xb: {  	vm11 =	vcmask $0x2B28;
	s29 =	sadd.s32 $0x800, s4;
	s31 =	sshll.u32 s2, $0x14;
	s7 =	sshll.u32 s9, $0xA;
	v0 =	vsel vm10, $0x1080, v0  }
0xc: {  	vm12 =	vcmask $0x2F2C;
	_ =	strace $0x80000047;
	s8 =	ssub.s32 $0x2, s9;
	s6 =	sor.u32 s7, s28;
	v0 =	vsel vm11, $0x1100, v0  }
0xd: {  	vm13 =	vcmask $0x3330;
	s9 =	sshll.u32 s9, $0x13;
	s30 =	sshrl.u32 s8, $0x1;
	s6 =	sshrl.u32 s6, $0x3;
	v0 =	vsel vm12, $0x1180, v0  }
0xe: {  	vm14 =	vcmask $0x3734;
	s9 =	sor.u32 s9, s31;
	s8 =	ssub.s32 s8, s30;
	s4 =	sadd.s32 s5, s6;
	v0 =	vsel vm13, $0x1200, v0  }
0xf: {  	vm15 =	vcmask $0x3B38;
	s10 =	sor.u32 $0x40, s6;
	s6 =	sadd.s32 s29, s6;
	s8 =	smax.u32 s8, $0x1;
	v0 =	vsel vm14, $0x1280, v0  }
0x10: {  	s5 =	sadd.s32 s5, s10;
	s7 =	sadd.s32 s29, s10;
	s10 =	simm.s32 $0x200;
	v0 =	vsel vm15, $0x1300, v0  }
.LBB2_1:
0x11: {  	[tilespmem:s3], [sflag:$0x2] =	stream.linear.gather [hbm4b:s4+s3], $0x200, $0x38;
	[tilespmem:$0xC00] =	vst v63  }
0x12: {  	_ = 	snop  }
0x13: {  	[tilespmem:s10], [sflag:$0x2] =	stream.linear.gather [hbm4b:s5+s3], $0x200, $0x38;
	[tilespmem:$0xC00] =	vst v63  }
0x14: {  	_ =	swait.ge [sflag:s11], $0x200  }
0x15: {  	[sflag:s11] =	ssyncset.done $0x0  }
0x16: {  	s19 =	simm.s32 $0x10;
	[sflag:s11] =	ssyncadd.s32 $0xFFFFFE00  }
0x17: {  	v1 =	vld [tilespmem:s19+$0xFFFFFFF0];
	_ =	sdelay $0x4  }
0x18: {  	v2 =	vand.u32 $0x7F, v1  }
0x19: {  	v1 =	vshll.u32 v1, $0x3;
	v2 =	vor.u32 s9, v2  }
0x1a: {  	v1 =	vand.u32 $0xFFFFFC00, v1;
	v2 =	vor.u32 v0, v2  }
0x1b: {  	s18 =	simm.s32 $0x410;
	v1 =	vadd.s32 v1, v2  }
0x1c: {  	[tilespmem:s18+$0xFFFFFFF0] =	vst v1  }
0x1d: {  	v1 =	vld [tilespmem:s19+$0x0];
	_ =	sdelay $0x4  }
0x1e: {  	s31 =	sadd.s32 $0x2000, s9;
	v2 =	vand.u32 $0x7F, v1  }
0x1f: {  	v1 =	vshll.u32 v1, $0x3;
	v2 =	vor.u32 s31, v2  }
0x20: {  	v1 =	vand.u32 $0xFFFFFC00, v1;
	v2 =	vor.u32 v0, v2  }
0x21: {  	v1 =	vadd.s32 v1, v2  }
0x22: {  	s20 =	simm.s32 $0x30;
	s21 =	smov.u32 s9;
	s19 =	simm.s32 $0x0;
	[tilespmem:s18+$0x0] =	vst v1  }
.LBB2_2:
0x23: {  	v1 =	vld [tilespmem:s20+$0xFFFFFFF0];
	s19 =	sadd.s32 $0x2, s19  }
0x24: {  	p0 =	slt.u32 s19, $0x1E;
	_ =	sdelay $0x3  }
0x25: {  	s21 =	sadd.s32 $0x4000, s21;
	v2 =	vand.u32 $0x7F, v1  }
0x26: {  	v1 =	vshll.u32 v1, $0x3;
	v2 =	vor.u32 s21, v2  }
0x27: {  	v1 =	vand.u32 $0xFFFFFC00, v1;
	v2 =	vor.u32 v0, v2  }
0x28: {  	s18 =	sadd.s32 $0x20, s18;
	v1 =	vadd.s32 v1, v2  }
0x29: {  	[tilespmem:s18+$0xFFFFFFF0] =	vst v1  }
0x2a: {  	v1 =	vld [tilespmem:s20+$0x0];
	_ =	sdelay $0x4  }
.Ltmp0:
0x2b: {  	s22 =	sadd.s32 $0x2000, s21;
	v2 =	vand.u32 $0x7F, v1;
	(pc) =	sbr.rel @p0 .LBB2_2-.Ltmp0, $4  }
0x2c: {  	v1 =	vshll.u32 v1, $0x3;
	v2 =	vor.u32 s22, v2  }
0x2d: {  	v1 =	vand.u32 $0xFFFFFC00, v1;
	v2 =	vor.u32 v0, v2  }
0x2e: {  	v1 =	vadd.s32 v1, v2  }
0x2f: {  	s20 =	sadd.s32 $0x20, s20;
	[tilespmem:s18+$0x0] =	vst v1  }
0x30: {  	[tilespmem:s13], [sflag:$0x1] =	stream.indirect.gather [hbm4b:s0+s10], $0x1, s12, s10, $0xb8;
	[tilespmem:$0xC00] =	vst v63  }
0x31: {  	_ =	swait.ge [sflag:s11], $0x200  }
0x32: {  	[sflag:s11] =	ssyncset.done $0x0  }
0x33: {  	s19 =	simm.s32 $0x210;
	[sflag:s11] =	ssyncadd.s32 $0xFFFFFE00  }
0x34: {  	v1 =	vld [tilespmem:s19+$0xFFFFFFF0];
	_ =	sdelay $0x4  }
0x35: {  	s18 =	sadd.s32 $0x40000, s9;
	v2 =	vand.u32 $0x7F, v1  }
0x36: {  	v1 =	vshll.u32 v1, $0x3;
	v2 =	vor.u32 s18, v2  }
0x37: {  	v1 =	vand.u32 $0xFFFFFC00, v1;
	v2 =	vor.u32 v0, v2  }
0x38: {  	s18 =	simm.s32 $0x610;
	v1 =	vadd.s32 v1, v2  }
0x39: {  	[tilespmem:s18+$0xFFFFFFF0] =	vst v1  }
0x3a: {  	v1 =	vld [tilespmem:s19+$0x0];
	_ =	sdelay $0x4  }
0x3b: {  	s31 =	sadd.s32 $0x42000, s9;
	v2 =	vand.u32 $0x7F, v1  }
0x3c: {  	v1 =	vshll.u32 v1, $0x3;
	v2 =	vor.u32 s31, v2  }
0x3d: {  	v1 =	vand.u32 $0xFFFFFC00, v1;
	v2 =	vor.u32 v0, v2  }
0x3e: {  	v1 =	vadd.s32 v1, v2  }
0x3f: {  	s20 =	simm.s32 $0x230;
	s21 =	smov.u32 s9;
	s19 =	simm.s32 $0x20;
	[tilespmem:s18+$0x0] =	vst v1  }
.LBB2_4:
0x40: {  	v1 =	vld [tilespmem:s20+$0xFFFFFFF0];
	s19 =	sadd.s32 $0x2, s19  }
0x41: {  	p0 =	slt.u32 s19, $0x3E;
	_ =	sdelay $0x2  }
0x42: {  	s21 =	sadd.s32 $0x4000, s21  }
0x43: {  	s22 =	sadd.s32 $0x40000, s21;
	v2 =	vand.u32 $0x7F, v1  }
0x44: {  	v1 =	vshll.u32 v1, $0x3;
	v2 =	vor.u32 s22, v2  }
0x45: {  	v1 =	vand.u32 $0xFFFFFC00, v1;
	v2 =	vor.u32 v0, v2  }
0x46: {  	s18 =	sadd.s32 $0x20, s18;
	v1 =	vadd.s32 v1, v2  }
0x47: {  	[tilespmem:s18+$0xFFFFFFF0] =	vst v1  }
0x48: {  	v1 =	vld [tilespmem:s20+$0x0];
	_ =	sdelay $0x4  }
.Ltmp1:
0x49: {  	s22 =	sadd.s32 $0x42000, s21;
	v2 =	vand.u32 $0x7F, v1;
	(pc) =	sbr.rel @p0 .LBB2_4-.Ltmp1, $4  }
0x4a: {  	v1 =	vshll.u32 v1, $0x3;
	v2 =	vor.u32 s22, v2  }
0x4b: {  	v1 =	vand.u32 $0xFFFFFC00, v1;
	v2 =	vor.u32 v0, v2  }
0x4c: {  	v1 =	vadd.s32 v1, v2  }
0x4d: {  	s20 =	sadd.s32 $0x20, s20;
	[tilespmem:s18+$0x0] =	vst v1  }
0x4e: {  	[tilespmem:s15], [sflag:$0x1] =	stream.indirect.gather [hbm4b:s0+s10], $0x1, s14, s10, $0xb8;
	[tilespmem:$0xC00] =	vst v63  }
0x4f: {  	_ =	swait.ge [sflag:s16], $0x200  }
0x50: {  	[sflag:s16] =	ssyncset.done $0x0  }
0x51: {  	[sflag:s16] =	ssyncadd.s32 $0xFFFFFE00  }
0x52: {  	[hbm4b:s6+s3] =	stream.linear.scatter [tilespmem:s13], [sflag:$0x2], $0x200, $0x38;
	[tilespmem:$0xC00] =	vst v63  }
0x53: {  	_ =	swait.ge [sflag:s16], $0x200  }
0x54: {  	[sflag:s16] =	ssyncset.done $0x0  }
0x55: {  	s17 =	sadd.s32 $0x1, s17;
	[sflag:s16] =	ssyncadd.s32 $0xFFFFFE00  }
0x56: {  	[hbm4b:s7+s3] =	stream.linear.scatter [tilespmem:s15], [sflag:$0x2], $0x200, $0x38;
	[tilespmem:$0xC00] =	vst v63  }
0x57: {  	p0 =	sne.s32 s17, s8;
	_ =	swait.ge [sflag:s11], $0x200  }
.Ltmp2:
0x58: {  	[sflag:s11] =	ssyncset.done $0x0;
	(pc) =	sbr.rel @p0 .LBB2_1-.Ltmp2, $4  }
0x59: {  	[sflag:s11] =	ssyncadd.s32 $0xFFFFFE00  }
0x5a: {  	_ =	swait.ge [sflag:s11], $0x200  }
0x5b: {  	[sflag:s11] =	ssyncset.done $0x0  }
0x5c: {  	[sflag:s11] =	ssyncadd.s32 $0xFFFFFE00  }
0x5d: {  	_ =	sfence.sel $0x180000  }
0x5e: {  	[bflag:$0x0] =	sbarrier.arrive $0xFFFF  }
0x5f: {  	p0 =	sne.s32 s2, $0x0;
	_ =	strace $0x90000047  }
0x60: {  	s0 =	sadd.s32 @!p0 $0x100000, s1;
	[bflag:$0x2] =	sbarrier.arrive $0xFFFF  }
0x61: {  	[sflag:s0] =	ssyncadd.tile.s32 @!p0 $0x1;
	_ =	shalt  }
.Lfunc_end2:
_tile_overlayer_lowered:
.L_overlay_start_2:
0x62: {  	(tag) =	ssettag $0x2  }
0x63: {  	s0 =	rddreg [dreg:$0x0];
	s2 =	stileid.u32  }
0x64: {  	s1 =	rddreg [dreg:$0x1];
	p0 =	sne.s32 s2, $0x0  }
0x65: {  	s3 =	rddreg [dreg:$0x2];
	[bflag:$0x3] =	sbarrier.arrive $0xFFFF;
	s2 =	simm.s32 @!p0 $0x1C03  }
0x66: {  	[timem:s3], [sflag:s2] =	dma.local @!p0 [hbm:s0], s1  }
0x67: {  	s0 =	simm.s32 @!p0 $0x3  }
0x68: {  	_ =	swait.ge @!p0 [sflag:s0], s1  }
0x69: {  	s1 =	ssub.s32 @!p0 $0x0, s1;
	[sflag:s0] =	ssyncset.done @!p0 $0x0  }
0x6a: {  	[sflag:s0] =	ssyncadd.s32 @!p0 s1  }
0x6b: {  	[bflag:$0x3] =	sbarrier.arrive $0xFFFF  }
0x6c: {  	_ =	shalt  }

</sc_bundles>
